<compile_context>
chip_gen: v7x
topology: tpu7x:2x2x1
jax: 0.10.2.dev20260603
libtpu: 0.0.44.dev20260713+nightly
codegen_flags: <defaults>
</compile_context>

<pallas_src>
import functools

import jax
import jax.numpy as jnp
from jax import lax
from jax.experimental import pallas as pl
from jax.experimental.pallas import tpu as pltpu
from jax.experimental.pallas import tpu_sc as plsc

SEQ = 8192
DIM = 1024
NUM_CORES = 2
NUM_SUBCORES = 16
NW = NUM_CORES * NUM_SUBCORES
ROWS_PER_W = SEQ // NW
NB = 64
NBLK = ROWS_PER_W // NB


def _pos_embed_sc(batch, idx_hbm, table_hbm, out_hbm, idx_v, rows_v, sem):
    c = lax.axis_index("c")
    s = lax.axis_index("s")
    wid = s * NUM_CORES + c
    base0 = wid * ROWS_PER_W

    def body(i, carry):
        start = base0 + i * NB
        pltpu.sync_copy(idx_hbm.at[pl.ds(start, NB)], idx_v)
        pltpu.async_copy(table_hbm.at[idx_v], rows_v, sem).wait()
        for b in range(batch):
            pltpu.sync_copy(rows_v, out_hbm.at[pl.ds(b * SEQ + start, NB)])
        return carry

    lax.fori_loop(0, NBLK, body, 0)


def kernel(x, emb_weight, offset=0):
    seq = x.shape[-1]
    batch = 1
    for d in x.shape[:-1]:
        batch *= d
    off = jnp.asarray(offset, jnp.int32)
    positions = jnp.clip(jnp.arange(seq, dtype=jnp.int32) + off,
                         0, emb_weight.shape[0] - 1)
    mesh = plsc.VectorSubcoreMesh(core_axis_name="c", subcore_axis_name="s")
    run = pl.kernel(
        functools.partial(_pos_embed_sc, batch),
        mesh=mesh,
        out_type=jax.ShapeDtypeStruct((batch * seq, DIM), jnp.float32),
        scratch_types=[
            pltpu.VMEM((NB,), jnp.int32),
            pltpu.VMEM((NB, DIM), jnp.float32),
            pltpu.SemaphoreType.DMA,
        ],
    )
    out = run(positions, emb_weight)
    return out.reshape(x.shape + (DIM,))

# --- scband reference (transcript-rebuilt; emitter-appended) ---
"""Pipeline reference for scband-positional-embedding-29892972380169 (READ-ONLY COPY).

The authoritative reference and input builder live on the scoring server;
editing this copy changes nothing except your own understanding.
"""

import jax, jax.numpy as jnp
import numpy as np

SEQ_LEN = 8192
DIMS = 1024

def setup_inputs(seed: int = 0) -> dict:
    key = jax.random.key(seed)
    k1, k2 = jax.random.split(key)
    x = jax.random.randint(k1, (4, 8192), 0, 8192, dtype=jnp.int64)
    emb_weight = jax.random.normal(k2, (SEQ_LEN, DIMS), dtype=jnp.float32) * 0.02
    return {"x": x, "emb_weight": emb_weight, "offset": jnp.array(0, dtype=jnp.int64)}

def reference(x, emb_weight, offset=0):
    # position = arange(offset, offset + x.size(-1)) broadcast to x's shape
    position = jnp.arange(0, x.shape[-1], dtype=jnp.int64) + offset
    position = jnp.broadcast_to(position.reshape((1,) * (x.ndim - 1) + (-1,)), x.shape)
    # embedding lookup -> gather rows of emb_weight
    return jnp.take(emb_weight, position, axis=0)

if __name__ == "__main__":
    import jax
    _d = setup_inputs()
    print(jax.jit(kernel)(*tuple(_d.values())))

</pallas_src>

<mosaic_0001>
#map = affine_map<(d0, d1) -> (0)>
#map1 = affine_map<(d0, d1) -> (0, 0)>
module attributes {stable_mosaic.version = 14 : i64} {
  func.func @_pos_embed_sc(%arg0: i32, %arg1: i32, %arg2: memref<8192xi32, #tpu.memory_space<hbm>>, %arg3: memref<8192x1024xf32, #tpu.memory_space<hbm>>, %arg4: memref<32768x1024xf32, #tpu.memory_space<hbm>>, %arg5: memref<64xi32, #tpu.memory_space<vmem>>, %arg6: memref<64x1024xf32, #tpu.memory_space<vmem>>, %arg7: memref<!tpu.dma_semaphore, #tpu.memory_space<semaphore_mem>>) attributes {dimension_semantics = [#tpu.dimension_semantics<core_parallel>, #tpu.dimension_semantics<subcore_parallel>], iteration_bounds = array<i64: 2, 16>, scalar_prefetch = 0 : i64, scratch_operands = 3 : i64, tpu.core_type = #tpu.core_type<sc_vector_subcore>, window_params = [{transform_indices = #map}, {transform_indices = #map1}, {transform_indices = #map1}]} {
    %mul3A = arith.constant 2 : i32
    %mul3A_0 = arith.muli %arg1, %mul3A : i32
    %add3A = arith.addi %mul3A_0, %arg0 : i32
    %mul3A_1 = arith.constant 256 : i32
    %mul3A_2 = arith.muli %add3A, %mul3A_1 : i32
    %scan3A = arith.constant 0 : i32
    %scan3A_3 = arith.constant 0 : i32
    %scan3A_4 = arith.constant 4 : i32
    %scan3A_5 = arith.addi %scan3A_3, %scan3A_4 : i32
    %scan3A_6 = arith.constant 1 : i32
    scf.for %scan3A_8 = %scan3A_3 to %scan3A_5 step %scan3A_6  : i32 {
      %mul3A_9 = arith.constant 64 : i32
      %mul3A_10 = arith.muli %scan3A_8, %mul3A_9 : i32
      %add3A_11 = arith.addi %mul3A_2, %mul3A_10 : i32
      "tpu.region"() ({
        %run_scoped3A = tpu.sem_alloc : memref<!tpu.dma_semaphore, #tpu.memory_space<semaphore_mem>>
        %dma_start3A_24 = tpu.memref_slice %arg2[%add3A_11] : memref<8192xi32, #tpu.memory_space<hbm>> -> memref<64xi32, #tpu.memory_space<hbm>>
        %dma_start3A_25 = tpu.memref_slice %arg2[%add3A_11] : memref<8192xi32, #tpu.memory_space<hbm>> -> memref<64xi32, #tpu.memory_space<hbm>>
        tpu.enqueue_dma source(%dma_start3A_25 : memref<64xi32, #tpu.memory_space<hbm>>) target(%arg5 : memref<64xi32, #tpu.memory_space<vmem>>) target_semaphore(%run_scoped3A : memref<!tpu.dma_semaphore, #tpu.memory_space<semaphore_mem>>)
        %dma_wait3A_26 = tpu.memref_slice %arg2[%add3A_11] : memref<8192xi32, #tpu.memory_space<hbm>> -> memref<64xi32, #tpu.memory_space<hbm>>
        %dma_wait3A_27 = tpu.memref_slice %arg2[%add3A_11] : memref<8192xi32, #tpu.memory_space<hbm>> -> memref<64xi32, #tpu.memory_space<hbm>>
        tpu.wait_dma2 semaphore(%run_scoped3A : memref<!tpu.dma_semaphore, #tpu.memory_space<semaphore_mem>>) src(%dma_wait3A_27 : memref<64xi32, #tpu.memory_space<hbm>>) dst(%arg5 : memref<64xi32, #tpu.memory_space<vmem>>)
        tpu.yield
      }) : () -> ()
      %dma_start3A = arith.constant 0 : i32
      %dma_start3A_12 = arith.constant 0 : i32
      %dma_start3A_13 = tpu.memref_slice %arg3[%dma_start3A, %dma_start3A_12] : memref<8192x1024xf32, #tpu.memory_space<hbm>> -> memref<8192x1024xf32, #tpu.memory_space<hbm>>
      tpu.enqueue_indirect_dma source(%dma_start3A_13 : memref<8192x1024xf32, #tpu.memory_space<hbm>>) target(%arg6 : memref<64x1024xf32, #tpu.memory_space<vmem>>) offsets(%arg5 : memref<64xi32, #tpu.memory_space<vmem>>) semaphore(%arg7 : memref<!tpu.dma_semaphore, #tpu.memory_space<semaphore_mem>>)
      %dma_wait3A = arith.constant 0 : i32
      %dma_wait3A_14 = arith.constant 0 : i32
      %dma_wait3A_15 = tpu.memref_slice %arg3[%dma_wait3A, %dma_wait3A_14] : memref<8192x1024xf32, #tpu.memory_space<hbm>> -> memref<8192x1024xf32, #tpu.memory_space<hbm>>
      tpu.wait_indirect_dma semaphore(%arg7 : memref<!tpu.dma_semaphore, #tpu.memory_space<semaphore_mem>>) src(%dma_wait3A_15 : memref<8192x1024xf32, #tpu.memory_space<hbm>>) dst(%arg6 : memref<64x1024xf32, #tpu.memory_space<vmem>>)
      %add3A_16 = arith.constant 0 : i32
      %add3A_17 = arith.addi %add3A_16, %add3A_11 : i32
      "tpu.region"() ({
        %run_scoped3A = tpu.sem_alloc : memref<!tpu.dma_semaphore, #tpu.memory_space<semaphore_mem>>
        %dma_start3A_24 = arith.constant 0 : i32
        %dma_start3A_25 = tpu.memref_slice %arg4[%add3A_17, %dma_start3A_24] : memref<32768x1024xf32, #tpu.memory_space<hbm>> -> memref<64x1024xf32, #tpu.memory_space<hbm>>
        %dma_start3A_26 = arith.constant 0 : i32
        %dma_start3A_27 = tpu.memref_slice %arg4[%add3A_17, %dma_start3A_26] : memref<32768x1024xf32, #tpu.memory_space<hbm>> -> memref<64x1024xf32, #tpu.memory_space<hbm>>
        tpu.enqueue_dma source(%arg6 : memref<64x1024xf32, #tpu.memory_space<vmem>>) target(%dma_start3A_27 : memref<64x1024xf32, #tpu.memory_space<hbm>>) target_semaphore(%run_scoped3A : memref<!tpu.dma_semaphore, #tpu.memory_space<semaphore_mem>>)
        %dma_wait3A_28 = arith.constant 0 : i32
        %dma_wait3A_29 = tpu.memref_slice %arg4[%add3A_17, %dma_wait3A_28] : memref<32768x1024xf32, #tpu.memory_space<hbm>> -> memref<64x1024xf32, #tpu.memory_space<hbm>>
        %dma_wait3A_30 = arith.constant 0 : i32
        %dma_wait3A_31 = tpu.memref_slice %arg4[%add3A_17, %dma_wait3A_30] : memref<32768x1024xf32, #tpu.memory_space<hbm>> -> memref<64x1024xf32, #tpu.memory_space<hbm>>
        tpu.wait_dma2 semaphore(%run_scoped3A : memref<!tpu.dma_semaphore, #tpu.memory_space<semaphore_mem>>) src(%arg6 : memref<64x1024xf32, #tpu.memory_space<vmem>>) dst(%dma_wait3A_31 : memref<64x1024xf32, #tpu.memory_space<hbm>>)
        tpu.yield
      }) : () -> ()
      %add3A_18 = arith.constant 8192 : i32
      %add3A_19 = arith.addi %add3A_18, %add3A_11 : i32
      "tpu.region"() ({
        %run_scoped3A = tpu.sem_alloc : memref<!tpu.dma_semaphore, #tpu.memory_space<semaphore_mem>>
        %dma_start3A_24 = arith.constant 0 : i32
        %dma_start3A_25 = tpu.memref_slice %arg4[%add3A_19, %dma_start3A_24] : memref<32768x1024xf32, #tpu.memory_space<hbm>> -> memref<64x1024xf32, #tpu.memory_space<hbm>>
        %dma_start3A_26 = arith.constant 0 : i32
        %dma_start3A_27 = tpu.memref_slice %arg4[%add3A_19, %dma_start3A_26] : memref<32768x1024xf32, #tpu.memory_space<hbm>> -> memref<64x1024xf32, #tpu.memory_space<hbm>>
        tpu.enqueue_dma source(%arg6 : memref<64x1024xf32, #tpu.memory_space<vmem>>) target(%dma_start3A_27 : memref<64x1024xf32, #tpu.memory_space<hbm>>) target_semaphore(%run_scoped3A : memref<!tpu.dma_semaphore, #tpu.memory_space<semaphore_mem>>)
        %dma_wait3A_28 = arith.constant 0 : i32
        %dma_wait3A_29 = tpu.memref_slice %arg4[%add3A_19, %dma_wait3A_28] : memref<32768x1024xf32, #tpu.memory_space<hbm>> -> memref<64x1024xf32, #tpu.memory_space<hbm>>
        %dma_wait3A_30 = arith.constant 0 : i32
        %dma_wait3A_31 = tpu.memref_slice %arg4[%add3A_19, %dma_wait3A_30] : memref<32768x1024xf32, #tpu.memory_space<hbm>> -> memref<64x1024xf32, #tpu.memory_space<hbm>>
        tpu.wait_dma2 semaphore(%run_scoped3A : memref<!tpu.dma_semaphore, #tpu.memory_space<semaphore_mem>>) src(%arg6 : memref<64x1024xf32, #tpu.memory_space<vmem>>) dst(%dma_wait3A_31 : memref<64x1024xf32, #tpu.memory_space<hbm>>)
        tpu.yield
      }) : () -> ()
      %add3A_20 = arith.constant 16384 : i32
      %add3A_21 = arith.addi %add3A_20, %add3A_11 : i32
      "tpu.region"() ({
        %run_scoped3A = tpu.sem_alloc : memref<!tpu.dma_semaphore, #tpu.memory_space<semaphore_mem>>
        %dma_start3A_24 = arith.constant 0 : i32
        %dma_start3A_25 = tpu.memref_slice %arg4[%add3A_21, %dma_start3A_24] : memref<32768x1024xf32, #tpu.memory_space<hbm>> -> memref<64x1024xf32, #tpu.memory_space<hbm>>
        %dma_start3A_26 = arith.constant 0 : i32
        %dma_start3A_27 = tpu.memref_slice %arg4[%add3A_21, %dma_start3A_26] : memref<32768x1024xf32, #tpu.memory_space<hbm>> -> memref<64x1024xf32, #tpu.memory_space<hbm>>
        tpu.enqueue_dma source(%arg6 : memref<64x1024xf32, #tpu.memory_space<vmem>>) target(%dma_start3A_27 : memref<64x1024xf32, #tpu.memory_space<hbm>>) target_semaphore(%run_scoped3A : memref<!tpu.dma_semaphore, #tpu.memory_space<semaphore_mem>>)
        %dma_wait3A_28 = arith.constant 0 : i32
        %dma_wait3A_29 = tpu.memref_slice %arg4[%add3A_21, %dma_wait3A_28] : memref<32768x1024xf32, #tpu.memory_space<hbm>> -> memref<64x1024xf32, #tpu.memory_space<hbm>>
        %dma_wait3A_30 = arith.constant 0 : i32
        %dma_wait3A_31 = tpu.memref_slice %arg4[%add3A_21, %dma_wait3A_30] : memref<32768x1024xf32, #tpu.memory_space<hbm>> -> memref<64x1024xf32, #tpu.memory_space<hbm>>
        tpu.wait_dma2 semaphore(%run_scoped3A : memref<!tpu.dma_semaphore, #tpu.memory_space<semaphore_mem>>) src(%arg6 : memref<64x1024xf32, #tpu.memory_space<vmem>>) dst(%dma_wait3A_31 : memref<64x1024xf32, #tpu.memory_space<hbm>>)
        tpu.yield
      }) : () -> ()
      %add3A_22 = arith.constant 24576 : i32
      %add3A_23 = arith.addi %add3A_22, %add3A_11 : i32
      "tpu.region"() ({
        %run_scoped3A = tpu.sem_alloc : memref<!tpu.dma_semaphore, #tpu.memory_space<semaphore_mem>>
        %dma_start3A_24 = arith.constant 0 : i32
        %dma_start3A_25 = tpu.memref_slice %arg4[%add3A_23, %dma_start3A_24] : memref<32768x1024xf32, #tpu.memory_space<hbm>> -> memref<64x1024xf32, #tpu.memory_space<hbm>>
        %dma_start3A_26 = arith.constant 0 : i32
        %dma_start3A_27 = tpu.memref_slice %arg4[%add3A_23, %dma_start3A_26] : memref<32768x1024xf32, #tpu.memory_space<hbm>> -> memref<64x1024xf32, #tpu.memory_space<hbm>>
        tpu.enqueue_dma source(%arg6 : memref<64x1024xf32, #tpu.memory_space<vmem>>) target(%dma_start3A_27 : memref<64x1024xf32, #tpu.memory_space<hbm>>) target_semaphore(%run_scoped3A : memref<!tpu.dma_semaphore, #tpu.memory_space<semaphore_mem>>)
        %dma_wait3A_28 = arith.constant 0 : i32
        %dma_wait3A_29 = tpu.memref_slice %arg4[%add3A_23, %dma_wait3A_28] : memref<32768x1024xf32, #tpu.memory_space<hbm>> -> memref<64x1024xf32, #tpu.memory_space<hbm>>
        %dma_wait3A_30 = arith.constant 0 : i32
        %dma_wait3A_31 = tpu.memref_slice %arg4[%add3A_23, %dma_wait3A_30] : memref<32768x1024xf32, #tpu.memory_space<hbm>> -> memref<64x1024xf32, #tpu.memory_space<hbm>>
        tpu.wait_dma2 semaphore(%run_scoped3A : memref<!tpu.dma_semaphore, #tpu.memory_space<semaphore_mem>>) src(%arg6 : memref<64x1024xf32, #tpu.memory_space<vmem>>) dst(%dma_wait3A_31 : memref<64x1024xf32, #tpu.memory_space<hbm>>)
        tpu.yield
      }) : () -> ()
    }
    %scan3A_7 = arith.constant 4 : i32
    return
  }
}

</mosaic_0001>

<sc_bundles>
// kernel: kernel.3.cloned.1.call-start
scs
__scs_entry_jumppad:
0x0: {  	(pc) =	sbr.rel $0x88, $3  }
0x1: {  	(tag) =	ssettag $0x0;
	lr =	simm.s32 $0x1  }
0x2: {  	[smem:$0x3F9F] =	sst lr;
	_ =	strace $0xD0000000  }
0x3: {  	_ = 	snop  }
0x4: {  	_ = 	snop  }
0x5: {  	_ = 	snop  }
0x6: {  	_ = 	snop  }
0x7: {  	_ = 	snop  }
__scs_overlays_trampoline_lowered:
0x8: {  	[smem:$0x3FAE] =	sst s0  }
0x9: {  	[smem:$0x3FAF] =	sst s1  }
0xa: {  	[smem:$0x3FB0] =	sst s2  }
0xb: {  	[smem:$0x3FB1] =	sst s3  }
0xc: {  	[smem:$0x3FB2] =	sst s4  }
0xd: {  	[smem:$0x3FB3] =	sst s5  }
0xe: {  	[smem:$0x3FB4] =	sst s6  }
0xf: {  	[smem:$0x3FB5] =	sst s7  }
0x10: {  	[smem:$0x3FB6] =	sst s8  }
0x11: {  	[smem:$0x3FB7] =	sst s9;
	s0 =	simm.s32 @!p0 $0x0  }
0x12: {  	s1 =	sld [smem:$0x3F9D];
	s0 =	simm.s32 @p0 $0x1  }
0x13: {  	[smem:$0x3FB8] =	sst s0;
	s0 =	simm.s32 @!p1 $0x0  }
0x14: {  	s2 =	sld [smem:$0x3F9C];
	s0 =	simm.s32 @p1 $0x1  }
0x15: {  	[smem:$0x3FB9] =	sst s0;
	s0 =	simm.s32 @!p2 $0x0  }
0x16: {  	s3 =	sld [smem:$0x3FDB];
	s0 =	simm.s32 @p2 $0x1  }
0x17: {  	s4 =	simm.s32 $0x1BF5;
	[smem:$0x3FBB] =	sst s0  }
0x18: {  	s0 =	sld [smem:$0x3F9E];
	_ =	swait.ge [sflag:s4], $0x0  }
0x19: {  	s7 =	sld [smem:$0x3F9F]  }
0x1a: {  	s8 =	sadd.s32 $0xFFFFE003, lr  }
0x1b: {  	s9 =	sadd.s32 $0xFFFFFEF7, lr;
	s5 =	simm.s32 $0xFFFFFFFF;
	p2 =	slt.u32 s8, $0xFFFFF086  }
0x1c: {  	p1 =	slt.u32 s9, $0xF7A;
	s5 =	simm.s32 @!p2 $0x0  }
0x1d: {  	s5 =	simm.s32 @p1 $0x1;
	p0 =	seq.s32 s7, s2  }
0x1e: {  	s7 =	smul.u32 @!p0 $0xF7A, s2;
	p2 =	seq.s32 @!p0 s5, $0x0  }
0x1f: {  	s9 =	smul.u32 $0xF7A, s1;
	s8 =	simm.s32 @!p0 $0x1BF5;
	p2 =	por !p2, p0  }
0x20: {  	[sflag:s8] =	ssyncset.s32 @!p0 $0xFFFFF086;
	s6 =	sadd.s32 @!p0 s3, s7;
	s7 =	simm.s32 @!p0 $0x108  }
0x21: {  	s3 =	sadd.s32 s3, s9;
	s6 =	sadd.s32 @!p0 $0x88, s6;
	s7 =	simm.s32 @p2 $0x1082  }
0x22: {  	[simem:s7], [sflag:s8] =	dma.local @!p0 [hbm:s6], $0xF7A  }
0x23: {  	s9 =	sor.u32 $0xD0000000, s2;
	s6 =	simm.s32 $0x108;
	_ =	swait.ge @!p0 [sflag:s8], $0x0  }
0x24: {  	s3 =	sadd.s32 $0x88, s3;
	s6 =	simm.s32 @!p1 $0x1082;
	[sflag:s4] =	ssyncset.s32 $0xFFFFF086  }
0x25: {  	[simem:s6], [sflag:s4] =	dma.local [hbm:s3], $0xF7A  }
0x26: {  	[smem:$0x3F9F] =	sst s1;
	(tag) =	ssettag s2;
	_ =	strace s9  }
0x27: {  	s1 =	sld [smem:$0x3FAF]  }
0x28: {  	s2 =	sld [smem:$0x3FB0]  }
0x29: {  	s4 =	sld [smem:$0x3FB2]  }
0x2a: {  	p0 =	seq.s32 s5, $0x0;
	s5 =	sld [smem:$0x3FB3]  }
0x2b: {  	s6 =	sld [smem:$0x3FB4]  }
0x2c: {  	s7 =	sld [smem:$0x3FB5]  }
0x2d: {  	s3 =	simm.s32 $0x108;
	s8 =	sld [smem:$0x3FB6]  }
0x2e: {  	s3 =	simm.s32 @!p0 $0x1082;
	s9 =	sld [smem:$0x3FB7]  }
0x2f: {  	lr =	sadd.s32 s0, s3;
	s0 =	sld [smem:$0x3FAE]  }
0x30: {  	s3 =	sld [smem:$0x3FB1]  }
0x31: {  	[smem:$0x3FBA] =	sst s10  }
0x32: {  	s10 =	sld [smem:$0x3FB8];
	_ =	sdelay $0x3  }
0x33: {  	p0 =	seq.s32 s10, $0x1;
	s10 =	sld [smem:$0x3FBA];
	_ =	sdelay $0x3  }
0x34: {  	[smem:$0x3FBA] =	sst s10  }
0x35: {  	s10 =	sld [smem:$0x3FB9];
	_ =	sdelay $0x3  }
0x36: {  	p1 =	seq.s32 s10, $0x1;
	s10 =	sld [smem:$0x3FBA];
	_ =	sdelay $0x3  }
0x37: {  	[smem:$0x3FBA] =	sst s10  }
0x38: {  	s10 =	sld [smem:$0x3FBB]  }
0x39: {  	_ = 	snop;
	(pc) =	sbr.ind lr, $3  }
0x3a: {  	_ = 	snop  }
0x3b: {  	_ = 	snop  }
0x3c: {  	p2 =	seq.s32 s10, $0x1;
	s10 =	sld [smem:$0x3FBA]  }
0x3d: {  	_ =	shalt  }
0x3e: {  	_ =	shalt  }
0x3f: {  	_ =	shalt  }
0x40: {  	_ =	shalt  }
0x41: {  	_ =	shalt  }
0x42: {  	_ =	shalt  }
0x43: {  	_ =	shalt  }
0x44: {  	_ =	shalt  }
0x45: {  	_ =	shalt  }
0x46: {  	_ =	shalt  }
0x47: {  	_ =	shalt  }
0x48: {  	_ =	shalt  }
0x49: {  	_ =	shalt  }
0x4a: {  	_ =	shalt  }
0x4b: {  	_ =	shalt  }
0x4c: {  	_ =	shalt  }
0x4d: {  	_ =	shalt  }
0x4e: {  	_ =	shalt  }
0x4f: {  	_ =	shalt  }
0x50: {  	_ =	shalt  }
0x51: {  	_ =	shalt  }
0x52: {  	_ =	shalt  }
0x53: {  	_ =	shalt  }
0x54: {  	_ =	shalt  }
0x55: {  	_ =	shalt  }
0x56: {  	_ =	shalt  }
0x57: {  	_ =	shalt  }
0x58: {  	_ =	shalt  }
0x59: {  	_ =	shalt  }
0x5a: {  	_ =	shalt  }
0x5b: {  	_ =	shalt  }
0x5c: {  	_ =	shalt  }
0x5d: {  	_ =	shalt  }
0x5e: {  	_ =	shalt  }
0x5f: {  	_ =	shalt  }
0x60: {  	_ =	shalt  }
0x61: {  	_ =	shalt  }
0x62: {  	_ =	shalt  }
0x63: {  	_ =	shalt  }
0x64: {  	_ =	shalt  }
0x65: {  	_ =	shalt  }
0x66: {  	_ =	shalt  }
0x67: {  	_ =	shalt  }
0x68: {  	_ =	shalt  }
0x69: {  	_ =	shalt  }
0x6a: {  	_ =	shalt  }
0x6b: {  	_ =	shalt  }
0x6c: {  	_ =	shalt  }
0x6d: {  	_ =	shalt  }
0x6e: {  	_ =	shalt  }
0x6f: {  	_ =	shalt  }
0x70: {  	_ =	shalt  }
0x71: {  	_ =	shalt  }
0x72: {  	_ =	shalt  }
0x73: {  	_ =	shalt  }
0x74: {  	_ =	shalt  }
0x75: {  	_ =	shalt  }
0x76: {  	_ =	shalt  }
0x77: {  	_ =	shalt  }
0x78: {  	_ =	shalt  }
0x79: {  	_ =	shalt  }
0x7a: {  	_ =	shalt  }
0x7b: {  	_ =	shalt  }
0x7c: {  	_ =	shalt  }
0x7d: {  	_ =	shalt  }
0x7e: {  	_ =	shalt  }
0x7f: {  	_ =	shalt  }
0x80: {  	_ =	shalt  }
0x81: {  	_ =	shalt  }
0x82: {  	_ =	shalt  }
0x83: {  	_ =	shalt  }
0x84: {  	_ =	shalt  }
0x85: {  	_ =	shalt  }
0x86: {  	_ =	shalt  }
0x87: {  	_ =	shalt  }
.Lfunc_end0:
.L_simem_size_0:
called_computation_lowered:
.L_overlay_start_0:
0x88: {  	s2 =	sld [smem:$0x3FD9]  }
0x89: {  	s3 =	sld [smem:$0x3FFE];
	_ =	sdelay $0x1  }
0x8a: {  	s1 =	srdreg.scid  }
0x8b: {  	s0 =	sand.u32 $0x1, s1  }
0x8c: {  	s17 =	sshll.u32 s0, $0xA;
	s2 =	sadd.s32 s3, s2  }
0x8d: {  	s2 =	sadd.s32 s2, s17  }
0x8e: {  	[smem:$0x3FC6] =	sst s2  }
0x8f: {  	_ = 	snop  }
0x90: {  	s2 =	sld [smem:$0x3FC9]  }
0x91: {  	s18 =	sld [smem:$0x3FD0];
	(tm) =	ssettm $0x1  }
0x92: {  	s4 =	sld [smem:$0x3FFB];
	_ =	sdelay $0x3  }
0x93: {  	_ =	strace s4  }
0x94: {  	s4 =	sld [smem:$0x3FFC];
	_ =	sdelay $0x3  }
0x95: {  	_ =	strace s4  }
0x96: {  	s4 =	sld [smem:$0x3FFD];
	_ =	sdelay $0x3  }
0x97: {  	_ =	strace s4  }
0x98: {  	_ =	strace $0x8FFFFFFF  }
0x99: {  	s19 =	sld [smem:$0x3FDB];
	_ =	sdelay $0x1  }
0x9a: {  	s5 =	simm.s32 $_scs_section_size  }
0x9b: {  	s6 =	simm.s32 $_size__tile_overlayer_lowered;
	s7 =	simm.s32 $_tile_overlayer_lowered  }
0x9c: {  	s22 =	simm.s32 $0x1BFF;
	s21 =	sshll.u32 s7, $0x1;
	s4 =	sadd.s32 s5, s19  }
0x9d: {  	s8 =	simm.s32 $0x0;
	s20 =	sshll.u32 s6, $0x1;
	s6 =	sadd.s32 s21, s4  }
0x9e: {  	[timem:s8], [sflag:s22] =	dma.local [hbm:s6], s20  }
0x9f: {  	_ =	swait.ge [sflag:s22], s20  }
0xa0: {  	s5 =	ssub.s32 $0x0, s20;
	[sflag:s22] =	ssyncset.done $0x0  }
0xa1: {  	[sflag:s22] =	ssyncadd.s32 s5;
	_ =	sdelay $0x1  }
0xa2: {  	s23 =	simm.s32 $0x1B8B  }
0xa3: {  	_ =	swait.ge [sflag:s23], $0x1  }
0xa4: {  	[sflag:s23] =	ssyncset.done $0x0  }
0xa5: {  	s25 =	simm.s32 $0x1B8E;
	s24 =	sld [smem:$0x3FFE];
	[sflag:s23] =	ssyncadd.s32 $0xFFFFFFFF  }
0xa6: {  	s26 =	simm.s32 $execute0_lowered;
	[smem:$0x3FD2] =	sst s25  }
0xa7: {  	s6 =	sshll.u32 s26, $0x1;
	_ =	strace $0x80000046;
	[dreg:$0x1] =	wrdreg $0xFFFFFFFF  }
0xa8: {  	s28 =	simm.s32 $_size_execute0_lowered;
	s4 =	sadd.s32 s4, s6;
	[dreg:$0x0] =	wrdreg $0x0  }
0xa9: {  	s6 =	sshll.u32 s28, $0x1;
	[dreg:$0x2] =	wrdreg s4  }
0xaa: {  	[dreg:$0x3] =	wrdreg s6  }
0xab: {  	[dreg:$0x4] =	wrdreg $0xC0  }
0xac: {  	_ =	task [dreg:s8], $0x5FFFF  }
0xad: {  	[dreg:$0x1] =	wrdreg $0xFFFFFFFF  }
0xae: {  	[dreg:$0x0] =	wrdreg $0x60  }
0xaf: {  	[dreg:$0x2] =	wrdreg s24  }
0xb0: {  	[dreg:$0x3] =	wrdreg s2  }
0xb1: {  	[dreg:$0x4] =	wrdreg s18  }
0xb2: {  	[dreg:$0x5] =	wrdreg $0x9  }
0xb3: {  	_ =	task.clear_ibuf [dreg:s8], $0x6FFFF;
	_ =	strace $0x90000046  }
0xb4: {  	s29 =	simm.s32 $0x9;
	_ =	strace $0x80000048  }
0xb5: {  	_ =	swait.ge [sflag:s29], $0x1  }
0xb6: {  	[sflag:s29] =	ssyncadd.s32 $0xFFFFFFFF  }
0xb7: {  	_ =	strace $0x90000048  }
0xb8: {  	_ =	sfence  }
0xb9: {  	s30 =	sld [smem:$0x0];
	_ =	sdelay $0x2  }
0xba: {  	s31 =	sshll.u32 s1, $0xD;
	s1 =	sshrl.u32 s1, $0x2  }
0xbb: {  	s3 =	sand.u32 $0x4000, s31;
	s1 =	sadd.s32 s1, s30  }
0xbc: {  	s0 =	sor.u32 s3, s0;
	s1 =	sshll.u32 s1, $0x11  }
0xbd: {  	s0 =	sor.u32 s1, s0  }
0xbe: {  	s0 =	sadd.s32 $0x8F2B, s0  }
0xbf: {  	[sflag:s0] =	ssyncadd.remote.s32 $0x1  }
0xc0: {  	_ =	sfence.sel $0xFFFF  }
0xc1: {  	[dreg:$0x0] =	wrdreg $0xFFFFFFFF;
	(pc) =	sbr.abs _section_cstart, $3  }
0xc2: {  	[dreg:$0x1] =	wrdreg $0xFFFFFFFF  }
0xc3: {  	_ =	task.clear_ibuf [dreg:s8], $0x2FFFF;
	_ =	strace $0x9FFFFFFF  }
0xc4: {  	(tm) =	ssettm $0x7FFFFFFF  }
0xc5: {  	_ =	shalt  }
tec
execute0_lowered:
.L_overlay_start_1:
0x0: {  	(tag) =	ssettag $0x1  }
0x1: {  	s4 =	rddreg [dreg:$0x0]  }
0x2: {  	s2 =	rddreg [dreg:$0x1]  }
0x3: {  	s5 =	rddreg [dreg:$0x2];
	s3 =	simm.s32 $0x0  }
0x4: {  	s12 =	simm.s32 $0x880;
	[smem:$0x7FF] =	sst s3  }
0x5: {  	s13 =	simm.s32 $0x1080;
	_ =	strace $0x80000047;
	[dreg:$0x5] =	wrdreg s12  }
0x6: {  	s15 =	simm.s32 $0x1880;
	[dreg:$0x6] =	wrdreg s13  }
0x7: {  	s6 =	srdreg.scid;
	s16 =	simm.s32 $0x2080;
	[dreg:$0x7] =	wrdreg s15  }
0x8: {  	s0 =	stileid.u32;
	s17 =	simm.s32 $0x2880;
	[dreg:$0x8] =	wrdreg s16  }
0x9: {  	s18 =	simm.s32 $0x3080;
	s20 =	simm.s32 $0x3880;
	[dreg:$0x9] =	wrdreg s17  }
0xa: {  	s22 =	simm.s32 $0x4080;
	s23 =	simm.s32 $0x4880;
	[dreg:$0xa] =	wrdreg s18  }
0xb: {  	s25 =	simm.s32 $0x5080;
	s26 =	simm.s32 $0x5880;
	[dreg:$0xb] =	wrdreg s20  }
0xc: {  	s9 =	simm.s32 $0x6080;
	s30 =	simm.s32 $0x6880;
	[dreg:$0xc] =	wrdreg s22  }
0xd: {  	s31 =	simm.s32 $0x7080;
	s10 =	simm.s32 $0x80;
	[dreg:$0xd] =	wrdreg s23  }
0xe: {  	s28 =	simm.s32 $0x1;
	s29 =	simm.s32 $0x0;
	[dreg:$0xe] =	wrdreg s25  }
0xf: {  	s6 =	sand.u32 $0x1, s6;
	s7 =	sshll.u32 s0, $0x10;
	[dreg:$0xf] =	wrdreg s26  }
0x10: {  	s14 =	sshll.u32 s0, $0x9;
	s5 =	sadd.s32 s7, s5;
	[dreg:$0x10] =	wrdreg s9  }
0x11: {  	s11 =	sshll.u32 s6, $0xF;
	s8 =	sshll.u32 s6, $0x8;
	[dreg:$0x11] =	wrdreg s30  }
0x12: {  	s21 =	ssub.s32 $0x2, s6;
	[dreg:$0x12] =	wrdreg s31;
	s9 =	simm.s32 $0x2  }
0x13: {  	s12 =	simm.s32 $0x8880;
	s13 =	simm.s32 $0x9080;
	s15 =	simm.s32 $0xA080  }
0x14: {  	s16 =	simm.s32 $0xA880;
	s17 =	simm.s32 $0xB080;
	s18 =	simm.s32 $0xB880  }
0x15: {  	s20 =	simm.s32 $0xC880;
	s22 =	simm.s32 $0xD880;
	s23 =	simm.s32 $0xE080  }
0x16: {  	s25 =	simm.s32 $0xF080;
	s26 =	simm.s32 $0xF880;
	s5 =	sadd.s32 s11, s5  }
0x17: {  	s7 =	sor.u32 s8, s14;
	s6 =	sshrl.u32 s21, $0x1;
	s11 =	simm.s32 $0x7880  }
0x18: {  	s14 =	simm.s32 $0x9880;
	[dreg:$0x4] =	wrdreg s5;
	s7 =	sshrl.u32 s7, $0x3  }
0x19: {  	s24 =	ssub.s32 s21, s6;
	s5 =	sadd.s32 $0x200, s2;
	s6 =	sadd.s32 $0x300, s2  }
0x1a: {  	v2 =	vlaneseq.u32;
	[dreg:$0x13] =	wrdreg s11;
	s11 =	simm.s32 $0x8080;
	s21 =	simm.s32 $0xD080  }
0x1b: {  	vm0 =	vmmov $0xffff;
	v1 =	vshrl.u32 v2, $0x3;
	s19 =	sadd.s32 s7, s4;
	s4 =	sadd.s32 $0x100, s2;
	s7 =	smax.u32 s24, $0x1  }
0x1c: {  	v0 =	vand.u32 $0x7, v2;
	v2 =	vor.u32 $0x8, v2;
	v1 =	vmul.u32 $0x8, v1;
	s24 =	simm.s32 $0xE880;
	s8 =	sadd.s32 $0x400, s19;
	s19 =	simm.s32 $0xC080  }
.LBB2_1:
0x1d: {  	s30 =	smov.u32 s8;
	s31 =	simm.s32 $0x0  }
.LBB2_2:
0x1e: {  	[tilespmem:s3], [sflag:$0x2] =	stream.linear.gather [hbm4b:s30+s3], $0x40, $0x38;
	[tilespmem:$0x10080] =	vst v63  }
0x1f: {  	_ =	swait.ge [sflag:s9], $0x40  }
0x20: {  	[sflag:s9] =	ssyncset.done $0x0  }
0x21: {  	[sflag:s9] =	ssyncadd.s32 $0xFFFFFFC0  }
0x22: {  	v3 =	vld [tilespmem:$0x0];
	_ =	sdelay $0x4  }
0x23: {  	v4 =	vshll.u32 v3, $0x3  }
0x24: {  	v3 =	vand.u32 $0x7, v3;
	v4 =	vand.u32 $0xFFFFFFC0, v4  }
0x25: {  	v3 =	vor.u32 v3, v4  }
0x26: {  	v4 =	vperm.xlane v3, v0;
	_ =	sdelay $0x1  }
0x27: {  	v4 =	vadd.s32 v1, v4;
	_ =	sdelay $0x4  }
0x28: {  	[tilespmem:s10], [sflag:$0x1] =	stream.indirect_vreg.gather [hbm4b:s2+s3], $0x80, v4, vm0, $0xb8;
	[tilespmem:$0x10080] =	vst v63  }
0x29: {  	s0 =	rddreg [dreg:$0x5];
	v3 =	vperm.xlane v3, v2  }
0x2a: {  	[tilespmem:s0], [sflag:$0x1] =	stream.indirect_vreg.gather [hbm4b:s4+s3], $0x80, v4, vm0, $0xb8;
	[tilespmem:$0x10080] =	vst v63  }
0x2b: {  	s1 =	rddreg [dreg:$0x6];
	v3 =	vadd.s32 v1, v3  }
0x2c: {  	[tilespmem:s1], [sflag:$0x1] =	stream.indirect_vreg.gather [hbm4b:s5+s3], $0x80, v4, vm0, $0xb8;
	[tilespmem:$0x10080] =	vst v63  }
0x2d: {  	s0 =	rddreg [dreg:$0x7]  }
0x2e: {  	[tilespmem:s0], [sflag:$0x1] =	stream.indirect_vreg.gather [hbm4b:s6+s3], $0x80, v4, vm0, $0xb8;
	[tilespmem:$0x10080] =	vst v63  }
0x2f: {  	s1 =	rddreg [dreg:$0x8]  }
0x30: {  	[tilespmem:s1], [sflag:$0x1] =	stream.indirect_vreg.gather [hbm4b:s2+s3], $0x80, v3, vm0, $0xb8;
	[tilespmem:$0x10080] =	vst v63  }
0x31: {  	s0 =	rddreg [dreg:$0x9]  }
0x32: {  	[tilespmem:s0], [sflag:$0x1] =	stream.indirect_vreg.gather [hbm4b:s4+s3], $0x80, v3, vm0, $0xb8;
	[tilespmem:$0x10080] =	vst v63  }
0x33: {  	s1 =	rddreg [dreg:$0xa]  }
0x34: {  	[tilespmem:s1], [sflag:$0x1] =	stream.indirect_vreg.gather [hbm4b:s5+s3], $0x80, v3, vm0, $0xb8;
	[tilespmem:$0x10080] =	vst v63  }
0x35: {  	s0 =	rddreg [dreg:$0xb]  }
0x36: {  	[tilespmem:s0], [sflag:$0x1] =	stream.indirect_vreg.gather [hbm4b:s6+s3], $0x80, v3, vm0, $0xb8;
	[tilespmem:$0x10080] =	vst v63  }
0x37: {  	v3 =	vld [tilespmem:$0x10];
	_ =	sdelay $0x4  }
0x38: {  	v61 =	vshll.u32 v3, $0x3  }
0x39: {  	v3 =	vand.u32 $0x7, v3;
	v4 =	vand.u32 $0xFFFFFFC0, v61  }
0x3a: {  	v3 =	vor.u32 v3, v4  }
0x3b: {  	v4 =	vperm.xlane v3, v0;
	_ =	sdelay $0x1  }
0x3c: {  	v4 =	vadd.s32 v1, v4;
	_ =	sdelay $0x3  }
0x3d: {  	s0 =	rddreg [dreg:$0xc]  }
0x3e: {  	[tilespmem:s0], [sflag:$0x1] =	stream.indirect_vreg.gather [hbm4b:s2+s3], $0x80, v4, vm0, $0xb8;
	[tilespmem:$0x10080] =	vst v63  }
0x3f: {  	s1 =	rddreg [dreg:$0xd];
	v3 =	vperm.xlane v3, v2  }
0x40: {  	[tilespmem:s1], [sflag:$0x1] =	stream.indirect_vreg.gather [hbm4b:s4+s3], $0x80, v4, vm0, $0xb8;
	[tilespmem:$0x10080] =	vst v63  }
0x41: {  	v3 =	vadd.s32 v1, v3;
	s0 =	rddreg [dreg:$0xe]  }
0x42: {  	[tilespmem:s0], [sflag:$0x1] =	stream.indirect_vreg.gather [hbm4b:s5+s3], $0x80, v4, vm0, $0xb8;
	[tilespmem:$0x10080] =	vst v63  }
0x43: {  	s1 =	rddreg [dreg:$0xf]  }
0x44: {  	[tilespmem:s1], [sflag:$0x1] =	stream.indirect_vreg.gather [hbm4b:s6+s3], $0x80, v4, vm0, $0xb8;
	[tilespmem:$0x10080] =	vst v63  }
0x45: {  	s0 =	rddreg [dreg:$0x10]  }
0x46: {  	[tilespmem:s0], [sflag:$0x1] =	stream.indirect_vreg.gather [hbm4b:s2+s3], $0x80, v3, vm0, $0xb8;
	[tilespmem:$0x10080] =	vst v63  }
0x47: {  	s1 =	rddreg [dreg:$0x11]  }
0x48: {  	[tilespmem:s1], [sflag:$0x1] =	stream.indirect_vreg.gather [hbm4b:s4+s3], $0x80, v3, vm0, $0xb8;
	[tilespmem:$0x10080] =	vst v63  }
0x49: {  	s0 =	rddreg [dreg:$0x12]  }
0x4a: {  	[tilespmem:s0], [sflag:$0x1] =	stream.indirect_vreg.gather [hbm4b:s5+s3], $0x80, v3, vm0, $0xb8;
	[tilespmem:$0x10080] =	vst v63  }
0x4b: {  	s1 =	rddreg [dreg:$0x13]  }
0x4c: {  	[tilespmem:s1], [sflag:$0x1] =	stream.indirect_vreg.gather [hbm4b:s6+s3], $0x80, v3, vm0, $0xb8;
	[tilespmem:$0x10080] =	vst v63  }
0x4d: {  	v3 =	vld [tilespmem:$0x20];
	_ =	sdelay $0x4  }
0x4e: {  	v62 =	vshll.u32 v3, $0x3  }
0x4f: {  	v3 =	vand.u32 $0x7, v3;
	v4 =	vand.u32 $0xFFFFFFC0, v62  }
0x50: {  	v3 =	vor.u32 v3, v4  }
0x51: {  	v4 =	vperm.xlane v3, v0;
	_ =	sdelay $0x1  }
0x52: {  	v4 =	vadd.s32 v1, v4;
	_ =	sdelay $0x4  }
0x53: {  	[tilespmem:s11], [sflag:$0x1] =	stream.indirect_vreg.gather [hbm4b:s2+s3], $0x80, v4, vm0, $0xb8;
	[tilespmem:$0x10080] =	vst v63  }
0x54: {  	v3 =	vperm.xlane v3, v2  }
0x55: {  	[tilespmem:s12], [sflag:$0x1] =	stream.indirect_vreg.gather [hbm4b:s4+s3], $0x80, v4, vm0, $0xb8;
	[tilespmem:$0x10080] =	vst v63  }
0x56: {  	v3 =	vadd.s32 v1, v3  }
0x57: {  	[tilespmem:s13], [sflag:$0x1] =	stream.indirect_vreg.gather [hbm4b:s5+s3], $0x80, v4, vm0, $0xb8;
	[tilespmem:$0x10080] =	vst v63  }
0x58: {  	_ = 	snop  }
0x59: {  	[tilespmem:s14], [sflag:$0x1] =	stream.indirect_vreg.gather [hbm4b:s6+s3], $0x80, v4, vm0, $0xb8;
	[tilespmem:$0x10080] =	vst v63  }
0x5a: {  	_ = 	snop  }
0x5b: {  	[tilespmem:s15], [sflag:$0x1] =	stream.indirect_vreg.gather [hbm4b:s2+s3], $0x80, v3, vm0, $0xb8;
	[tilespmem:$0x10080] =	vst v63  }
0x5c: {  	_ = 	snop  }
0x5d: {  	[tilespmem:s16], [sflag:$0x1] =	stream.indirect_vreg.gather [hbm4b:s4+s3], $0x80, v3, vm0, $0xb8;
	[tilespmem:$0x10080] =	vst v63  }
0x5e: {  	_ = 	snop  }
0x5f: {  	[tilespmem:s17], [sflag:$0x1] =	stream.indirect_vreg.gather [hbm4b:s5+s3], $0x80, v3, vm0, $0xb8;
	[tilespmem:$0x10080] =	vst v63  }
0x60: {  	_ = 	snop  }
0x61: {  	[tilespmem:s18], [sflag:$0x1] =	stream.indirect_vreg.gather [hbm4b:s6+s3], $0x80, v3, vm0, $0xb8;
	[tilespmem:$0x10080] =	vst v63  }
0x62: {  	v3 =	vld [tilespmem:$0x30];
	_ =	sdelay $0x4  }
0x63: {  	v63 =	vshll.u32 v3, $0x3  }
0x64: {  	v3 =	vand.u32 $0x7, v3;
	v4 =	vand.u32 $0xFFFFFFC0, v63  }
0x65: {  	v3 =	vor.u32 v3, v4  }
0x66: {  	v4 =	vperm.xlane v3, v0;
	_ =	sdelay $0x1  }
0x67: {  	v4 =	vadd.s32 v1, v4;
	_ =	sdelay $0x4  }
0x68: {  	[tilespmem:s19], [sflag:$0x1] =	stream.indirect_vreg.gather [hbm4b:s2+s3], $0x80, v4, vm0, $0xb8;
	[tilespmem:$0x10080] =	vst v63  }
0x69: {  	v3 =	vperm.xlane v3, v2  }
0x6a: {  	[tilespmem:s20], [sflag:$0x1] =	stream.indirect_vreg.gather [hbm4b:s4+s3], $0x80, v4, vm0, $0xb8;
	[tilespmem:$0x10080] =	vst v63  }
0x6b: {  	v3 =	vadd.s32 v1, v3  }
0x6c: {  	[tilespmem:s21], [sflag:$0x1] =	stream.indirect_vreg.gather [hbm4b:s5+s3], $0x80, v4, vm0, $0xb8;
	[tilespmem:$0x10080] =	vst v63  }
0x6d: {  	_ = 	snop  }
0x6e: {  	[tilespmem:s22], [sflag:$0x1] =	stream.indirect_vreg.gather [hbm4b:s6+s3], $0x80, v4, vm0, $0xb8;
	[tilespmem:$0x10080] =	vst v63  }
0x6f: {  	_ = 	snop  }
0x70: {  	[tilespmem:s23], [sflag:$0x1] =	stream.indirect_vreg.gather [hbm4b:s2+s3], $0x80, v3, vm0, $0xb8;
	[tilespmem:$0x10080] =	vst v63  }
0x71: {  	_ = 	snop  }
0x72: {  	[tilespmem:s24], [sflag:$0x1] =	stream.indirect_vreg.gather [hbm4b:s4+s3], $0x80, v3, vm0, $0xb8;
	[tilespmem:$0x10080] =	vst v63  }
0x73: {  	_ = 	snop  }
0x74: {  	[tilespmem:s25], [sflag:$0x1] =	stream.indirect_vreg.gather [hbm4b:s5+s3], $0x80, v3, vm0, $0xb8;
	[tilespmem:$0x10080] =	vst v63  }
0x75: {  	_ = 	snop  }
0x76: {  	[tilespmem:s26], [sflag:$0x1] =	stream.indirect_vreg.gather [hbm4b:s6+s3], $0x80, v3, vm0, $0xb8;
	[tilespmem:$0x10080] =	vst v63  }
0x77: {  	_ =	swait.ge [sflag:s28], $0x10000  }
0x78: {  	s1 =	rddreg [dreg:$0x4];
	[sflag:s28] =	ssyncset.done $0x0  }
0x79: {  	[sflag:s28] =	ssyncadd.s32 $0xFFFF0000;
	s0 =	sadd.s32 s31, s1  }
0x7a: {  	[hbm4b:s0+s3] =	stream.linear.scatter [tilespmem:s10], [sflag:$0x2], $0x10000, $0x38;
	[tilespmem:$0x10080] =	vst v63  }
0x7b: {  	_ =	swait.ge [sflag:s9], $0x10000  }
0x7c: {  	[sflag:s9] =	ssyncset.done $0x0  }
0x7d: {  	s1 =	sadd.s32 $0x100000, s0;
	[sflag:s9] =	ssyncadd.s32 $0xFFFF0000  }
0x7e: {  	[hbm4b:s1+s3] =	stream.linear.scatter [tilespmem:s10], [sflag:$0x2], $0x10000, $0x38;
	[tilespmem:$0x10080] =	vst v63  }
0x7f: {  	_ =	swait.ge [sflag:s9], $0x10000  }
0x80: {  	[sflag:s9] =	ssyncset.done $0x0  }
0x81: {  	s1 =	sadd.s32 $0x200000, s0;
	[sflag:s9] =	ssyncadd.s32 $0xFFFF0000  }
0x82: {  	[hbm4b:s1+s3] =	stream.linear.scatter [tilespmem:s10], [sflag:$0x2], $0x10000, $0x38;
	[tilespmem:$0x10080] =	vst v63  }
0x83: {  	_ =	swait.ge [sflag:s9], $0x10000  }
0x84: {  	p0 =	sne.s32 s31, $0x6000;
	[sflag:s9] =	ssyncset.done $0x0  }
.Ltmp0:
0x85: {  	s0 =	sadd.s32 $0x300000, s0;
	[sflag:s9] =	ssyncadd.s32 $0xFFFF0000;
	(pc) =	sbr.rel @p0 .LBB2_2-.Ltmp0, $4  }
0x86: {  	[hbm4b:s0+s3] =	stream.linear.scatter [tilespmem:s10], [sflag:$0x2], $0x10000, $0x38;
	[tilespmem:$0x10080] =	vst v63  }
0x87: {  	_ =	swait.ge [sflag:s9], $0x10000  }
0x88: {  	[sflag:s9] =	ssyncset.done $0x0  }
0x89: {  	s30 =	sadd.s32 $0x8, s30;
	s31 =	sadd.s32 $0x2000, s31;
	[sflag:s9] =	ssyncadd.s32 $0xFFFF0000  }
0x8a: {  	s29 =	sadd.s32 $0x1, s29  }
0x8b: {  	p0 =	sne.s32 s29, s7  }
.Ltmp1:
0x8c: {  	_ = 	snop;
	(pc) =	sbr.rel @p0 .LBB2_1-.Ltmp1, $1  }
0x8d: {  	_ =	sdelay $0x3  }
0x8e: {  	_ =	sfence.sel $0x180000  }
0x8f: {  	[bflag:$0x0] =	sbarrier.arrive $0xFFFF  }
0x90: {  	_ =	strace $0x90000047  }
0x91: {  	s0 =	stileid.u32;
	[bflag:$0x2] =	sbarrier.arrive $0xFFFF  }
0x92: {  	p0 =	sne.s32 s0, $0x0;
	s0 =	rddreg [dreg:$0x3]  }
0x93: {  	s0 =	sadd.s32 @!p0 $0x100000, s0  }
0x94: {  	[sflag:s0] =	ssyncadd.tile.s32 @!p0 $0x1;
	_ =	shalt  }
.Lfunc_end2:
_tile_overlayer_lowered:
.L_overlay_start_2:
0x95: {  	(tag) =	ssettag $0x2  }
0x96: {  	s0 =	rddreg [dreg:$0x0];
	s2 =	stileid.u32  }
0x97: {  	s1 =	rddreg [dreg:$0x1];
	p0 =	sne.s32 s2, $0x0  }
0x98: {  	s3 =	rddreg [dreg:$0x2];
	[bflag:$0x3] =	sbarrier.arrive $0xFFFF;
	s2 =	simm.s32 @!p0 $0x1C02  }
0x99: {  	[timem:s3], [sflag:s2] =	dma.local @!p0 [hbm:s0], s1  }
0x9a: {  	s0 =	simm.s32 @!p0 $0x2  }
0x9b: {  	_ =	swait.ge @!p0 [sflag:s0], s1  }
0x9c: {  	s1 =	ssub.s32 @!p0 $0x0, s1;
	[sflag:s0] =	ssyncset.done @!p0 $0x0  }
0x9d: {  	[sflag:s0] =	ssyncadd.s32 @!p0 s1  }
0x9e: {  	[bflag:$0x3] =	sbarrier.arrive $0xFFFF  }
0x9f: {  	_ =	shalt  }

</sc_bundles>
